<compile_context>
chip_gen: v7x
topology: tpu7x:2x2x1
jax: 0.10.2.dev20260603
libtpu: 0.0.44.dev20260713+nightly
codegen_flags: <defaults>
</compile_context>

<pallas_src>
import jax
import jax.numpy as jnp
from jax.experimental import pallas as pl

N_PTS = 128
MIN_DEPTH = 0.1
MAX_DEPTH = 100.0
BM = 2048


def _raysample_kernel(od_ref, r_ref, z_ref, pts_ref, lens_ref):
    pts_ref[...] = jnp.dot(od_ref[...], r_ref[...],
                           preferred_element_type=jnp.float32)
    lens_ref[...] = jnp.broadcast_to(z_ref[...], lens_ref.shape)


@jax.jit
def kernel(origins, directions):
    B = origins.shape[0]
    z = jnp.linspace(MIN_DEPTH, MAX_DEPTH, N_PTS, dtype=jnp.float32)
    eye = jnp.eye(3, dtype=jnp.float32)
    p = jnp.tile(eye, (1, N_PTS))
    q = (z[None, :, None] * eye[:, None, :]).reshape(3, N_PTS * 3)
    r = jnp.concatenate([p, q, jnp.zeros((2, N_PTS * 3), jnp.float32)], axis=0)
    od = jnp.concatenate(
        [origins, directions, jnp.zeros((B, 2), jnp.float32)], axis=1)

    pts, lens = pl.pallas_call(
        _raysample_kernel,
        grid=(B // BM,),
        in_specs=[
            pl.BlockSpec((BM, 8), lambda i: (i, 0)),
            pl.BlockSpec((8, N_PTS * 3), lambda i: (0, 0)),
            pl.BlockSpec((1, N_PTS), lambda i: (0, 0)),
        ],
        out_specs=[
            pl.BlockSpec((BM, N_PTS * 3), lambda i: (i, 0)),
            pl.BlockSpec((BM, N_PTS), lambda i: (i, 0)),
        ],
        out_shape=[
            jax.ShapeDtypeStruct((B, N_PTS * 3), jnp.float32),
            jax.ShapeDtypeStruct((B, N_PTS), jnp.float32),
        ],
    )(od, r, z.reshape(1, N_PTS))

    return pts.reshape(B, N_PTS, 3), lens.reshape(B, N_PTS, 1)

# --- scband reference (transcript-rebuilt; emitter-appended) ---
"""Pipeline reference for scband-stratified-raysampler-36481452212815 (READ-ONLY COPY).

The authoritative reference and input builder live on the scoring server;
editing this copy changes nothing except your own understanding.
"""

import jax, jax.numpy as jnp
import numpy as np

N_PTS = 128
MIN_DEPTH = 0.1
MAX_DEPTH = 100.0
B = 65536


def setup_inputs(seed: int = 0) -> dict:
    key = jax.random.key(seed)
    k1, k2 = jax.random.split(key)
    origins = jax.random.normal(k1, (B, 3), dtype=jnp.float32)
    directions = jax.random.normal(k2, (B, 3), dtype=jnp.float32)
    # normalize directions like real ray bundles
    directions = directions / jnp.linalg.norm(directions, axis=-1, keepdims=True)
    return {"origins": origins, "directions": directions}


def reference(origins, directions):
    # z_vals: [1, n_pts, 1], stratified (here uniform linspace, matching torch.linspace)
    z_vals = jnp.linspace(MIN_DEPTH, MAX_DEPTH, N_PTS, dtype=jnp.float32).reshape(1, N_PTS, 1)
    # sample_points = origins[:, None, :] + directions[:, None, :] * z_vals  -> [B, n_pts, 3]
    sample_points = (
        jnp.broadcast_to(origins[:, None, :], (origins.shape[0], N_PTS, 3))
        + jnp.broadcast_to(directions[:, None, :], (directions.shape[0], N_PTS, 3)) * z_vals
    )
    # sample_lengths = z_vals * ones_like(sample_points[..., :1]) -> [B, n_pts, 1]
    sample_lengths = z_vals * jnp.ones_like(sample_points[..., :1])
    return (sample_points, sample_lengths)

if __name__ == "__main__":
    import jax
    _d = setup_inputs()
    print(jax.jit(kernel)(*tuple(_d.values())))

</pallas_src>

<mosaic_0001>
module attributes {stable_mosaic.version = 14 : i64} {
  func.func @_raysample_kernel(%arg0: i32, %arg1: memref<2048x8xf32, #tpu.memory_space<vmem>>, %arg2: memref<8x384xf32, #tpu.memory_space<vmem>>, %arg3: memref<1x128xf32, #tpu.memory_space<vmem>>, %arg4: memref<2048x384xf32, #tpu.memory_space<vmem>>, %arg5: memref<2048x128xf32, #tpu.memory_space<vmem>>) attributes {dimension_semantics = [#tpu.dimension_semantics<arbitrary>], iteration_bounds = array<i64: 32>, scalar_prefetch = 0 : i64, scratch_operands = 0 : i64, tpu.core_type = #tpu.core_type<tc>, window_params = [{transform_indices = @transform_0, window_bounds = array<i64: 2048, 8>}, {pipeline_mode = #tpu.pipeline_mode<synchronous>, transform_indices = @transform_1, window_bounds = array<i64: 8, 384>}, {pipeline_mode = #tpu.pipeline_mode<synchronous>, transform_indices = @transform_2, window_bounds = array<i64: 1, 128>}, {transform_indices = @transform_3, window_bounds = array<i64: 2048, 384>}, {transform_indices = @transform_4, window_bounds = array<i64: 2048, 128>}]} {
    %get3A = arith.constant 0 : index
    %get3A_0 = arith.constant 0 : index
    %get3A_1 = vector.load %arg1[%get3A, %get3A_0] : memref<2048x8xf32, #tpu.memory_space<vmem>>, vector<2048x8xf32>
    %get3A_2 = arith.constant 0 : index
    %get3A_3 = arith.constant 0 : index
    %get3A_4 = vector.load %arg2[%get3A_2, %get3A_3] : memref<8x384xf32, #tpu.memory_space<vmem>>, vector<8x384xf32>
    %dot_general3A = arith.constant dense<0.000000e+00> : vector<2048x384xf32>
    %dot_general3A_5 = tpu.matmul %get3A_1, %get3A_4, %dot_general3A {dimension_numbers = #tpu.dot_dimension_numbers<[1], [0], [0], [1], [0, 0, 1, 1], [], []>, transpose_lhs_hint = false} : vector<2048x8xf32>, vector<8x384xf32>, vector<2048x384xf32> -> vector<2048x384xf32>
    %swap3A = arith.constant 0 : index
    %swap3A_6 = arith.constant 0 : index
    %swap3A_7 = vector.load %arg4[%swap3A, %swap3A_6] : memref<2048x384xf32, #tpu.memory_space<vmem>>, vector<2048x384xf32>
    tpu.vector_store %arg4[%swap3A, %swap3A_6], %dot_general3A_5 {strides = array<i32>} : memref<2048x384xf32, #tpu.memory_space<vmem>>, vector<2048x384xf32>,
    %get3A_8 = arith.constant 0 : index
    %get3A_9 = arith.constant 0 : index
    %get3A_10 = vector.load %arg3[%get3A_8, %get3A_9] : memref<1x128xf32, #tpu.memory_space<vmem>>, vector<1x128xf32>
    %broadcast_in_dim3A = vector.shape_cast %get3A_10 : vector<1x128xf32> to vector<1x128xf32>
    %broadcast_in_dim3A_11 = vector.broadcast %broadcast_in_dim3A : vector<1x128xf32> to vector<2048x128xf32>
    %swap3A_12 = arith.constant 0 : index
    %swap3A_13 = arith.constant 0 : index
    %swap3A_14 = vector.load %arg5[%swap3A_12, %swap3A_13] : memref<2048x128xf32, #tpu.memory_space<vmem>>, vector<2048x128xf32>
    tpu.vector_store %arg5[%swap3A_12, %swap3A_13], %broadcast_in_dim3A_11 {strides = array<i32>} : memref<2048x128xf32, #tpu.memory_space<vmem>>, vector<2048x128xf32>,
    return
  }
  func.func @transform_0(%arg0: i32) -> (i32, i32) {
    %c0_i32 = arith.constant 0 : i32
    %c0_i32_0 = arith.constant 0 : i32
    return %arg0, %c0_i32 : i32, i32
  }
  func.func @transform_1(%arg0: i32) -> (i32, i32) {
    %c0_i32 = arith.constant 0 : i32
    %c0_i32_0 = arith.constant 0 : i32
    %c0_i32_1 = arith.constant 0 : i32
    return %c0_i32, %c0_i32_0 : i32, i32
  }
  func.func @transform_2(%arg0: i32) -> (i32, i32) {
    %c0_i32 = arith.constant 0 : i32
    %c0_i32_0 = arith.constant 0 : i32
    %c0_i32_1 = arith.constant 0 : i32
    return %c0_i32, %c0_i32_0 : i32, i32
  }
  func.func @transform_3(%arg0: i32) -> (i32, i32) {
    %c0_i32 = arith.constant 0 : i32
    %c0_i32_0 = arith.constant 0 : i32
    return %arg0, %c0_i32 : i32, i32
  }
  func.func @transform_4(%arg0: i32) -> (i32, i32) {
    %c0_i32 = arith.constant 0 : i32
    %c0_i32_0 = arith.constant 0 : i32
    return %arg0, %c0_i32 : i32, i32
  }
}

</mosaic_0001>

<sc_bundles>
// kernel: sparse-core-data-format-call.cloned.1.call-start
scs
called_computation_lowered:
.L_overlay_start_0:
0x0: {  	s2 =	sld [smem:$0x3FD9]  }
0x1: {  	s3 =	sld [smem:$0x3FFE];
	_ =	sdelay $0x1  }
0x2: {  	s1 =	srdreg.scid  }
0x3: {  	s0 =	sand.u32 $0x1, s1  }
0x4: {  	s15 =	sshll.u32 s0, $0xA;
	s2 =	sadd.s32 s3, s2  }
0x5: {  	s2 =	sadd.s32 s2, s15  }
0x6: {  	[smem:$0x3FC6] =	sst s2  }
0x7: {  	_ = 	snop  }
0x8: {  	s2 =	sld [smem:$0x3FD0];
	_ =	sdelay $0x2  }
0x9: {  	s16 =	simm.s32 $0xA;
	s4 =	simm.s32 $0x10  }
0xa: {  	[smem:s4], [sflag:s16] =	dma.local [hbm:s2], $0x1  }
0xb: {  	_ =	swait.eq [sflag:s16], $0x1  }
0xc: {  	[sflag:s16] =	ssyncset.done $0x0  }
0xd: {  	[sflag:s16] =	ssyncadd.s32 $0xFFFFFFFF  }
0xe: {  	s17 =	sld [smem:$0x10];
	(tm) =	ssettm $0x1  }
0xf: {  	s18 =	sld [smem:$0x3FFB];
	_ =	sdelay $0x3  }
0x10: {  	_ =	strace s18  }
0x11: {  	s3 =	sld [smem:$0x3FFC];
	_ =	sdelay $0x3  }
0x12: {  	_ =	strace s3  }
0x13: {  	s3 =	sld [smem:$0x3FFD];
	_ =	sdelay $0x3  }
0x14: {  	_ =	strace s3  }
0x15: {  	_ =	strace $0x8FFFFFFF  }
0x16: {  	s19 =	sld [smem:$0x3FDB];
	_ =	sdelay $0x1  }
0x17: {  	s20 =	simm.s32 $_scs_section_size  }
0x18: {  	s5 =	simm.s32 $_size__tile_overlayer_lowered;
	s6 =	simm.s32 $_tile_overlayer_lowered  }
0x19: {  	s23 =	simm.s32 $0x1BFF;
	s22 =	sshll.u32 s6, $0x1;
	s3 =	sadd.s32 s20, s19  }
0x1a: {  	s7 =	simm.s32 $0x0;
	s21 =	sshll.u32 s5, $0x1;
	s5 =	sadd.s32 s22, s3  }
0x1b: {  	[timem:s7], [sflag:s23] =	dma.local [hbm:s5], s21  }
0x1c: {  	_ =	swait.ge [sflag:s23], s21  }
0x1d: {  	s4 =	ssub.s32 $0x0, s21;
	[sflag:s23] =	ssyncset.done $0x0  }
0x1e: {  	[sflag:s23] =	ssyncadd.s32 s4;
	_ =	sdelay $0x1  }
0x1f: {  	s24 =	simm.s32 $0x1B8B  }
0x20: {  	_ =	swait.ge [sflag:s24], $0x1  }
0x21: {  	[sflag:s24] =	ssyncset.done $0x0  }
0x22: {  	s26 =	simm.s32 $0x1B8E;
	s25 =	sld [smem:$0x3FFE];
	[sflag:s24] =	ssyncadd.s32 $0xFFFFFFFF  }
0x23: {  	s27 =	simm.s32 $execute0_lowered;
	[smem:$0x3FD2] =	sst s26  }
0x24: {  	s5 =	sshll.u32 s27, $0x1;
	_ =	strace $0x80000046;
	[dreg:$0x1] =	wrdreg $0xFFFFFFFF  }
0x25: {  	s28 =	simm.s32 $_size_execute0_lowered;
	s3 =	sadd.s32 s3, s5;
	[dreg:$0x0] =	wrdreg $0x0  }
0x26: {  	s5 =	sshll.u32 s28, $0x1;
	[dreg:$0x2] =	wrdreg s3  }
0x27: {  	[dreg:$0x3] =	wrdreg s5  }
0x28: {  	[dreg:$0x4] =	wrdreg $0xC0  }
0x29: {  	_ =	task [dreg:s7], $0x5FFFF  }
0x2a: {  	[dreg:$0x1] =	wrdreg $0xFFFFFFFF  }
0x2b: {  	[dreg:$0x0] =	wrdreg $0x60  }
0x2c: {  	[dreg:$0x2] =	wrdreg s25  }
0x2d: {  	[dreg:$0x3] =	wrdreg s17  }
0x2e: {  	[dreg:$0x4] =	wrdreg $0x9  }
0x2f: {  	_ =	task.clear_ibuf [dreg:s7], $0x5FFFF;
	_ =	strace $0x90000046  }
0x30: {  	s29 =	simm.s32 $0x9;
	_ =	strace $0x80000048  }
0x31: {  	_ =	swait.ge [sflag:s29], $0x1  }
0x32: {  	[sflag:s29] =	ssyncadd.s32 $0xFFFFFFFF  }
0x33: {  	_ =	strace $0x90000048  }
0x34: {  	_ =	sfence  }
0x35: {  	s30 =	sld [smem:$0x0];
	_ =	sdelay $0x2  }
0x36: {  	s31 =	sshll.u32 s1, $0xD;
	s1 =	sshrl.u32 s1, $0x2  }
0x37: {  	s3 =	sand.u32 $0x4000, s31;
	s1 =	sadd.s32 s1, s30  }
0x38: {  	s0 =	sor.u32 s3, s0;
	s1 =	sshll.u32 s1, $0x11  }
0x39: {  	s0 =	sor.u32 s1, s0  }
0x3a: {  	s0 =	sadd.s32 $0x8F2B, s0  }
0x3b: {  	[sflag:s0] =	ssyncadd.remote.s32 $0x1  }
0x3c: {  	_ =	sfence.sel $0xFFFF  }
0x3d: {  	[dreg:$0x0] =	wrdreg $0xFFFFFFFF;
	(pc) =	sbr.abs _section_cstart, $3  }
0x3e: {  	[dreg:$0x1] =	wrdreg $0xFFFFFFFF  }
0x3f: {  	_ =	task.clear_ibuf [dreg:s7], $0x2FFFF;
	_ =	strace $0x9FFFFFFF  }
0x40: {  	(tm) =	ssettm $0x7FFFFFFF  }
0x41: {  	_ =	shalt  }
tec
execute0_lowered:
.L_overlay_start_1:
0x0: {  	(tag) =	ssettag $0x1  }
0x1: {  	s0 =	srdreg.scid  }
0x2: {  	s1 =	sshll.u32 s0, $0x4  }
0x3: {  	s0 =	stileid.u32;
	s1 =	sand.u32 $0x10, s1  }
0x4: {  	s6 =	rddreg [dreg:$0x0];
	s1 =	sor.u32 s0, s1  }
0x5: {  	s4 =	simm.s32 $0x1;
	s7 =	simm.s32 $0x2;
	s2 =	sshll.u32 s1, $0x7  }
0x6: {  	s14 =	simm.s32 $0x0;
	s13 =	simm.s32 $0x0;
	s1 =	ssub.s32 $0x10000, s2  }
0x7: {  	s12 =	simm.s32 $0x0;
	s9 =	simm.s32 $0x0;
	s3 =	sand.u32 $0xF80, s1  }
0x8: {  	s10 =	simm.s32 $0x0;
	s5 =	sshrl.u32 s1, $0xC;
	p0 =	sne.s32 s3, $0x0  }
.Ltmp0:
0x9: {  	s1 =	rddreg [dreg:$0x2];
	s4 =	simm.s32 @!p0 $0x0;
	(pc) =	sbr.rel .LBB1_1-.Ltmp0, $4  }
0xa: {  	s11 =	simm.s32 $0x0;
	s3 =	rddreg [dreg:$0x1];
	s5 =	sadd.s32 s4, s5  }
0xb: {  	_ =	strace $0x80000047;
	s4 =	simm.s32 $0x1;
	s5 =	smul.u32 $0x3, s5  }
0xc: {  	s6 =	sadd.s32 $0x300800, s6;
	s8 =	smov.u32 s2;
	[sflag:s4] =	ssyncpa.u1 $0x0  }
0xd: {  	p0 =	por $0x0, $0x0;
	[sflag:s7] =	ssyncpa.u1 $0x0;
	s7 =	sadd.s32 $0x1, s5  }
.LBB1_4:
0xe: {  	v5 =	vld [tilespmem:s18+$0xFFFFFFD0];
	[tilespmem:s17+$0x2040 ss:$0x81] =	vst.msk $0xffff, v1  }
0xf: {  	v58 =	vld [tilespmem:s18+$0xFFFFFFE0];
	[tilespmem:s17+$0x2850 ss:$0x81] =	vst.msk $0xffff, v2  }
0x10: {  	s19 =	sshra.s32 s19, $0x2;
	v59 =	vld [tilespmem:s18+$0xFFFFFFF0];
	[tilespmem:s17+$0x3060 ss:$0x81] =	vst.msk $0xffff, v3  }
0x11: {  	v60 =	vld [tilespmem:s18+$0x0];
	[tilespmem:s17+$0x0 ss:$0x81] =	vst.msk $0xffff, v0;
	s16 =	sadd.s32 s19, s16  }
0x12: {  	v61 =	vld [tilespmem:s18+$0x10];
	[tilespmem:s16+$0x3870 ss:$0x81] =	vst.msk $0xffff, v4  }
0x13: {  	v62 =	vld [tilespmem:s18+$0x20];
	s14 =	sshll.u32 s14, $0x7;
	s28 =	sshll.u32 s12, $0x3;
	[tilespmem:s16+$0x810 ss:$0x81] =	vst.msk $0xffff, v5  }
0x14: {  	v63 =	vld [tilespmem:s18+$0xFFFFFFC0];
	s29 =	sand.u32 $0x7FFC00, s14;
	s17 =	sand.u32 $0x7FFC00, s28;
	[tilespmem:s16+$0x1020 ss:$0x81] =	vst.msk $0xffff, v58  }
0x15: {  	s14 =	sand.u32 $0x380, s14;
	s17 =	sadd.s32 s17, s29;
	[tilespmem:s16+$0x1830 ss:$0x81] =	vst.msk $0xffff, v59  }
0x16: {  	s13 =	sshll.u32 s13, $0x14;
	s30 =	sshrl.u32 s12, $0x3;
	s14 =	sor.u32 s14, s17;
	[tilespmem:s16+$0x2040 ss:$0x81] =	vst.msk $0xffff, v60  }
0x17: {  	s13 =	sadd.s32 s3, s13;
	s17 =	sand.u32 $0xF, s30;
	s14 =	sshrl.u32 s14, $0x3;
	[tilespmem:s16+$0x2850 ss:$0x81] =	vst.msk $0xffff, v61  }
0x18: {  	s13 =	sadd.s32 s17, s13;
	[tilespmem:s16+$0x3060 ss:$0x81] =	vst.msk $0xffff, v62;
	s14 =	sand.u32 $0xFFFF0, s14  }
0x19: {  	s31 =	sand.u32 $0x7, s12;
	[tilespmem:s16+$0x0 ss:$0x81] =	vst.msk $0xffff, v63;
	s13 =	sadd.s32 s14, s13  }
0x1a: {  	[hbm4b:s13+s31] =	stream.linear.scatter [tilespmem:s15], [sflag:$0x2], $0x4000, $0x20;
	[tilespmem:$0x10100] =	vst v63  }
.LBB1_5:
0x1b: {  	s15 =	sadd.s32 $0x1000, s8  }
0x1c: {  	s12 =	simm.s32 $0x1;
	p2 =	sgt.s32 s15, $0xFFFF  }
0x1d: {  	s12 =	simm.s32 @!p2 $0x0  }
0x1e: {  	s16 =	sadd.s32 s12, s9  }
0x1f: {  	s18 =	smov.u32 s10;
	s12 =	sadd.s32 $0x80, s10;
	p3 =	sgt.s32 s16, $0x2  }
0x20: {  	s18 =	smov.u32 @p3 s12  }
0x21: {  	s15 =	smov.u32 @p2 s2;
	p2 =	sgt.s32 s18, $0x7F  }
0x22: {  	p1 =	slt.u32 s11, $0x2;
	s18 =	simm.s32 @p2 $0x0;
	p2 =	sne.s32 s11, s7  }
.Ltmp1:
0x23: {  	s17 =	simm.s32 @!p1 $0x2;
	(pc) =	sbr.rel @!p2 .LBB1_6-.Ltmp1, $4  }
0x24: {  	s14 =	smov.u32 s8;
	s13 =	smov.u32 s9;
	_ =	swait.ge @!p1 [sflag:s17], $0x4000  }
0x25: {  	p0 =	por !p0, !p0;
	[sflag:s17] =	ssyncset.done @!p1 $0x0;
	s8 =	smov.u32 s15  }
0x26: {  	[sflag:s17] =	ssyncadd.s32 @!p1 $0xFFFFC000;
	s16 =	simm.s32 @p3 $0x0;
	s12 =	smov.u32 s10  }
0x27: {  	s9 =	smov.u32 s16;
	s11 =	sadd.s32 $0x1, s11;
	s10 =	smov.u32 s18  }
.LBB1_1:
0x28: {  	p1 =	sge.u32 s11, s5  }
0x29: {  	s15 =	sshll.u32 @!p1 s9, $0x7  }
0x2a: {  	s16 =	sand.u32 @!p1 $0x78, s8;
	s17 =	sshll.u32 @!p1 s8, $0x2;
	s15 =	sand.u32 @!p1 $0x180, s15  }
0x2b: {  	s31 =	sadd.s32 $0xFFFFFFFF, s11;
	s17 =	sand.u32 @!p1 $0xFE00, s17;
	s15 =	sor.u32 @!p1 s15, s16  }
0x2c: {  	s16 =	sshll.u32 @!p1 s10, $0xF;
	s15 =	sor.u32 @!p1 s17, s15;
	s17 =	sshrl.u32 @!p1 s8, $0x1  }
0x2d: {  	s18 =	sxor.u32 @!p1 $0xFFFFFFFF, s11;
	s16 =	sadd.s32 @!p1 s6, s16;
	s17 =	sand.u32 @!p1 $0x6000, s17  }
0x2e: {  	s18 =	sshll.u32 @!p1 s18, $0xE;
	s16 =	sadd.s32 @!p1 s17, s16;
	s17 =	sand.u32 @!p1 $0x7, s8  }
0x2f: {  	s18 =	sand.u32 @!p1 $0x4000, s18;
	s15 =	sshrl.u32 @!p1 s15, $0x3;
	s17 =	sshll.u32 @!p1 s17, $0x12  }
0x30: {  	s15 =	sadd.s32 @!p1 s15, s16;
	s16 =	sor.u32 @!p1 $0x80, s17;
	s17 =	simm.s32 @!p1 $0x40000  }
0x31: {  	[tilespmem:s18], [sflag:$0x1] =	stream.strided.gather @!p1 [hbm4b:s15+s16], $0x4000, s17, s16, $0x38;
	[tilespmem:$0x10100] =	vst v63  }
0x32: {  	p1 =	sge.u32 s31, s5  }
.Ltmp2:
0x33: {  	_ = 	snop;
	(pc) =	sbr.rel @p1 .LBB1_5-.Ltmp2, $1  }
0x34: {  	_ =	sdelay $0x3  }
0x35: {  	s15 =	simm.s32 $0x1  }
0x36: {  	_ =	swait.ge [sflag:s4], $0x4000;
	s15 =	simm.s32 @!p0 $0x0  }
0x37: {  	[sflag:s4] =	ssyncset.done $0x0;
	s16 =	sshll.u32 s15, $0xE  }
0x38: {  	[sflag:s4] =	ssyncadd.s32 $0xFFFFC000;
	s18 =	sor.u32 $0x40, s16  }
0x39: {  	s15 =	smul.u32 $0x10200, s15;
	v0 =	vld [tilespmem:s18+$0x30]  }
0x3a: {  	v3 =	vld [tilespmem:s18+$0xFFFFFFD0]  }
0x3b: {  	s15 =	sshrl.u32 s15, $0x2;
	v4 =	vld [tilespmem:s18+$0xFFFFFFE0]  }
0x3c: {  	v5 =	vld [tilespmem:s18+$0xFFFFFFF0];
	s16 =	sor.u32 $0x8000, s15  }
0x3d: {  	s31 =	sand.u32 $0x1, s11;
	v1 =	vld [tilespmem:s18+$0x0];
	s17 =	sadd.s32 $0x0, s16  }
0x3e: {  	v2 =	vld [tilespmem:s18+$0x10];
	s15 =	smul.u32 $0x10200, s31;
	[tilespmem:s17+$0x3870 ss:$0x81] =	vst.msk $0xffff, v0  }
0x3f: {  	[tilespmem:s17+$0x810 ss:$0x81] =	vst.msk $0xffff, v3;
	v3 =	vld [tilespmem:s18+$0x20]  }
0x40: {  	s15 =	sshrl.u32 s15, $0x2;
	v0 =	vld [tilespmem:s18+$0xFFFFFFC0];
	[tilespmem:s17+$0x1020 ss:$0x81] =	vst.msk $0xffff, v4;
	s18 =	sadd.s32 $0x80, s18  }
0x41: {  	s19 =	simm.s32 $0x4;
	s20 =	simm.s32 $0x8;
	s15 =	sor.u32 $0x8000, s15;
	[tilespmem:s17+$0x1830 ss:$0x81] =	vst.msk $0xffff, v5;
	v4 =	vld [tilespmem:s18+$0x30]  }
.LBB1_3:
0x42: {  	p1 =	sne.s32 s20, $0x1FC;
	v5 =	vld [tilespmem:s18+$0xFFFFFFD0];
	[tilespmem:s17+$0x2040 ss:$0x81] =	vst.msk $0xffff, v1  }
0x43: {  	v6 =	vld [tilespmem:s18+$0xFFFFFFE0];
	[tilespmem:s17+$0x2850 ss:$0x81] =	vst.msk $0xffff, v2  }
0x44: {  	s21 =	sshra.s32 s19, $0x2;
	s19 =	smov.u32 s20;
	v7 =	vld [tilespmem:s18+$0xFFFFFFF0];
	[tilespmem:s17+$0x3060 ss:$0x81] =	vst.msk $0xffff, v3  }
.Ltmp3:
0x45: {  	v1 =	vld [tilespmem:s18+$0x0];
	[tilespmem:s17+$0x0 ss:$0x81] =	vst.msk $0xffff, v0;
	s17 =	sadd.s32 s21, s16;
	(pc) =	sbr.rel @p1 .LBB1_3-.Ltmp3, $4  }
0x46: {  	v2 =	vld [tilespmem:s18+$0x10];
	[tilespmem:s17+$0x3870 ss:$0x81] =	vst.msk $0xffff, v4  }
0x47: {  	[tilespmem:s17+$0x810 ss:$0x81] =	vst.msk $0xffff, v5;
	v3 =	vld [tilespmem:s18+$0x20]  }
0x48: {  	v0 =	vld [tilespmem:s18+$0xFFFFFFC0];
	[tilespmem:s17+$0x1020 ss:$0x81] =	vst.msk $0xffff, v6;
	s18 =	sadd.s32 $0x80, s18  }
0x49: {  	s20 =	sadd.s32 $0x4, s20;
	v4 =	vld [tilespmem:s18+$0x30];
	[tilespmem:s17+$0x1830 ss:$0x81] =	vst.msk $0xffff, v7  }
.Ltmp4:
0x4a: {  	_ = 	snop;
	(pc) =	sbr.rel .LBB1_4-.Ltmp4, $1  }
0x4b: {  	_ =	sdelay $0x3  }
.LBB1_6:
0x4c: {  	_ =	sfence.sel $0x180000  }
0x4d: {  	s2 =	simm.s32 $0x1;
	[bflag:$0x0] =	sbarrier.arrive $0xFFFF  }
0x4e: {  	s31 =	simm.s32 $0x2;
	[sflag:s2] =	ssyncpa.u1 $0x1  }
0x4f: {  	[sflag:s31] =	ssyncpa.u1 $0x1  }
0x50: {  	p0 =	sne.s32 s0, $0x0;
	_ =	strace $0x90000047  }
0x51: {  	s0 =	sadd.s32 @!p0 $0x100000, s1;
	[bflag:$0x2] =	sbarrier.arrive $0xFFFF  }
0x52: {  	[sflag:s0] =	ssyncadd.tile.s32 @!p0 $0x1;
	_ =	shalt  }
.Lfunc_end1:
_tile_overlayer_lowered:
.L_overlay_start_2:
0x53: {  	(tag) =	ssettag $0x2  }
0x54: {  	s0 =	rddreg [dreg:$0x0];
	s2 =	stileid.u32  }
0x55: {  	s1 =	rddreg [dreg:$0x1];
	p0 =	sne.s32 s2, $0x0  }
0x56: {  	s3 =	rddreg [dreg:$0x2];
	[bflag:$0x3] =	sbarrier.arrive $0xFFFF;
	s2 =	simm.s32 @!p0 $0x1C01  }
0x57: {  	[timem:s3], [sflag:s2] =	dma.local @!p0 [hbm:s0], s1  }
0x58: {  	s0 =	simm.s32 @!p0 $0x1  }
0x59: {  	_ =	swait.ge @!p0 [sflag:s0], s1  }
0x5a: {  	s1 =	ssub.s32 @!p0 $0x0, s1;
	[sflag:s0] =	ssyncset.done @!p0 $0x0  }
0x5b: {  	[sflag:s0] =	ssyncadd.s32 @!p0 s1  }
0x5c: {  	[bflag:$0x3] =	sbarrier.arrive $0xFFFF  }
0x5d: {  	_ =	shalt  }

</sc_bundles>
